<compile_context>
chip_gen: v7x
topology: tpu7x:2x2x1
jax: 0.10.2.dev20260603
libtpu: 0.0.44.dev20260713+nightly
codegen_flags: <defaults>
</compile_context>

<pallas_src>
import functools

import jax
import jax.numpy as jnp
from jax import lax
from jax.experimental import pallas as pl
from jax.experimental.pallas import tpu as pltpu
from jax.experimental.pallas import tpu_sc as plsc

N = 10000
D_FEAT = 128
HIDDEN = 16
N_CLASSES = 64
N_EDGES = 320000

CHUNK = 128
CHUNKS_TOT = N_EDGES // CHUNK
NCORES = 2
NSUB = 16
NW = NCORES * NSUB
MAX_CPW = -(-CHUNKS_TOT // NW) + 1
ROWS_PER_SUB = N // NSUB

_mesh = plsc.VectorSubcoreMesh(core_axis_name="c", subcore_axis_name="s",
                               num_cores=NCORES)
_sc_params = pltpu.CompilerParams(use_tc_tiling_on_sc=False)


@jax.jit
def _sc_degree(e32, zeros_init, ones_blk):
    @functools.partial(
        pl.kernel,
        out_type=jax.ShapeDtypeStruct((NCORES, N, HIDDEN), jnp.float32),
        mesh=_mesh,
        scratch_types=[
            pltpu.VMEM((MAX_CPW * CHUNK,), jnp.int32),
            pltpu.VMEM((CHUNK, HIDDEN), jnp.float32),
            pltpu.VMEM_SHARED((N, HIDDEN), jnp.float32),
            pltpu.SemaphoreType.DMA,
        ],
        compiler_params=_sc_params,
    )
    def k(e_hbm, zero_hbm, ones_hbm, out_hbm, dst_v, ones_v, acc_sh, sem):
        cid = lax.axis_index("c")
        sid = lax.axis_index("s")
        wid = sid * NCORES + cid
        c0 = (wid * CHUNKS_TOT) // NW
        c1 = ((wid + 1) * CHUNKS_TOT) // NW
        r0 = sid * ROWS_PER_SUB
        pltpu.sync_copy(zero_hbm.at[pl.ds(r0, ROWS_PER_SUB)],
                        acc_sh.at[pl.ds(r0, ROWS_PER_SUB)])
        pltpu.sync_copy(ones_hbm, ones_v)
        pltpu.sync_copy(e_hbm.at[1, pl.ds(c0 * CHUNK, MAX_CPW * CHUNK)], dst_v)
        plsc.subcore_barrier()

        nch = c1 - c0

        @pl.loop(0, nch)
        def _(j):
            pltpu.async_copy(ones_v,
                             acc_sh.at[dst_v.at[pl.ds(j * CHUNK, CHUNK)]],
                             sem, add=True)

        @pl.loop(0, nch)
        def _(j):
            pltpu.make_async_copy(
                ones_v, acc_sh.at[dst_v.at[pl.ds(j * CHUNK, CHUNK)]],
                sem).wait()

        plsc.subcore_barrier()
        pltpu.sync_copy(acc_sh.at[pl.ds(r0, ROWS_PER_SUB)],
                        out_hbm.at[cid, pl.ds(r0, ROWS_PER_SUB)])

    return k(e32, zeros_init, ones_blk)


@jax.jit
def _sc_aggregate(hs, e32, zeros_init):
    @functools.partial(
        pl.kernel,
        out_type=jax.ShapeDtypeStruct((NCORES, N, HIDDEN), jnp.float32),
        mesh=_mesh,
        scratch_types=[
            pltpu.VMEM((MAX_CPW * CHUNK,), jnp.int32),
            pltpu.VMEM((MAX_CPW * CHUNK,), jnp.int32),
            pltpu.VMEM((2, CHUNK, HIDDEN), jnp.float32),
            pltpu.VMEM_SHARED((N, HIDDEN), jnp.float32),
            pltpu.VMEM_SHARED((N, HIDDEN), jnp.float32),
            pltpu.SemaphoreType.DMA,
            pltpu.SemaphoreType.DMA,
        ],
        compiler_params=_sc_params,
    )
    def k(hs_hbm, e_hbm, zero_hbm, out_hbm,
          src_v, dst_v, rows_v, acc_sh, tab_sh, sem, sem_s):
        cid = lax.axis_index("c")
        sid = lax.axis_index("s")
        wid = sid * NCORES + cid
        c0 = (wid * CHUNKS_TOT) // NW
        c1 = ((wid + 1) * CHUNKS_TOT) // NW
        r0 = sid * ROWS_PER_SUB
        st = [
            pltpu.async_copy(zero_hbm.at[pl.ds(r0, ROWS_PER_SUB)],
                             acc_sh.at[pl.ds(r0, ROWS_PER_SUB)], sem),
            pltpu.async_copy(hs_hbm.at[pl.ds(r0, ROWS_PER_SUB)],
                             tab_sh.at[pl.ds(r0, ROWS_PER_SUB)], sem),
            pltpu.async_copy(e_hbm.at[0, pl.ds(c0 * CHUNK, MAX_CPW * CHUNK)],
                             src_v, sem),
            pltpu.async_copy(e_hbm.at[1, pl.ds(c0 * CHUNK, MAX_CPW * CHUNK)],
                             dst_v, sem),
        ]
        for d in st:
            d.wait()
        plsc.subcore_barrier()

        nch = c1 - c0

        def src_at(j):
            return src_v.at[pl.ds(j * CHUNK, CHUNK)]

        def dst_at(j):
            return dst_v.at[pl.ds(j * CHUNK, CHUNK)]

        pltpu.async_copy(tab_sh.at[src_at(0)], rows_v.at[0], sem)

        @pl.loop(0, nch)
        def _(j):
            @pl.when(j > 0)
            def _():
                @pl.when(lax.rem(j, 2) == 1)
                def _():
                    pltpu.make_async_copy(rows_v.at[0],
                                          acc_sh.at[dst_at(j - 1)],
                                          sem_s).wait()

                @pl.when(lax.rem(j, 2) == 0)
                def _():
                    pltpu.make_async_copy(rows_v.at[1],
                                          acc_sh.at[dst_at(j - 1)],
                                          sem_s).wait()

            @pl.when(j + 1 < nch)
            def _():
                @pl.when(lax.rem(j, 2) == 0)
                def _():
                    pltpu.async_copy(tab_sh.at[src_at(j + 1)],
                                     rows_v.at[1], sem)

                @pl.when(lax.rem(j, 2) == 1)
                def _():
                    pltpu.async_copy(tab_sh.at[src_at(j + 1)],
                                     rows_v.at[0], sem)

            pltpu.make_async_copy(tab_sh.at[src_at(j)],
                                  rows_v.at[0], sem).wait()

            @pl.when(lax.rem(j, 2) == 0)
            def _():
                pltpu.async_copy(rows_v.at[0], acc_sh.at[dst_at(j)],
                                 sem_s, add=True)

            @pl.when(lax.rem(j, 2) == 1)
            def _():
                pltpu.async_copy(rows_v.at[1], acc_sh.at[dst_at(j)],
                                 sem_s, add=True)

        pltpu.make_async_copy(rows_v.at[0], acc_sh.at[dst_at(nch - 1)],
                              sem_s).wait()
        plsc.subcore_barrier()
        pltpu.sync_copy(acc_sh.at[pl.ds(r0, ROWS_PER_SUB)],
                        out_hbm.at[cid, pl.ds(r0, ROWS_PER_SUB)])

    return k(hs, e32, zeros_init)


_BLK = 10000
_GRID = N // _BLK


def _tc_prep(x, W1, degP):
    def body(x_ref, w_ref, p_ref, hs_ref, dinv_ref):
        deg = sum(p_ref[c, :, :1] for c in range(NCORES)) + 1.0
        dinv = lax.rsqrt(deg)
        h = jnp.dot(x_ref[...], w_ref[...], preferred_element_type=jnp.float32)
        hs_ref[...] = h * dinv
        dinv_ref[...] = jnp.broadcast_to(dinv, (_BLK, HIDDEN))

    return pl.pallas_call(
        body,
        grid=(_GRID,),
        in_specs=[
            pl.BlockSpec((_BLK, D_FEAT), lambda i: (i, 0)),
            pl.BlockSpec((D_FEAT, HIDDEN), lambda i: (0, 0)),
            pl.BlockSpec((NCORES, _BLK, HIDDEN), lambda i: (0, i, 0)),
        ],
        out_specs=[
            pl.BlockSpec((_BLK, HIDDEN), lambda i: (i, 0)),
            pl.BlockSpec((_BLK, HIDDEN), lambda i: (i, 0)),
        ],
        out_shape=[
            jax.ShapeDtypeStruct((N, HIDDEN), jnp.float32),
            jax.ShapeDtypeStruct((N, HIDDEN), jnp.float32),
        ],
    )(x, W1, degP)


def _tc_mid(P1, hs1, dinv, b1):
    def body(p_ref, h_ref, d_ref, b_ref, o_ref):
        agg = sum(p_ref[c] for c in range(NCORES)) + h_ref[...]
        dinv_v = d_ref[...]
        rh = jnp.maximum(dinv_v * agg + b_ref[...], 0.0)
        o_ref[...] = dinv_v * rh

    return pl.pallas_call(
        body,
        grid=(_GRID,),
        in_specs=[
            pl.BlockSpec((NCORES, _BLK, HIDDEN), lambda i: (0, i, 0)),
            pl.BlockSpec((_BLK, HIDDEN), lambda i: (i, 0)),
            pl.BlockSpec((_BLK, HIDDEN), lambda i: (i, 0)),
            pl.BlockSpec((1, HIDDEN), lambda i: (0, 0)),
        ],
        out_specs=pl.BlockSpec((_BLK, HIDDEN), lambda i: (i, 0)),
        out_shape=jax.ShapeDtypeStruct((N, HIDDEN), jnp.float32),
    )(P1, hs1, dinv, b1)


def _tc_final(P2, hs2, dinv, W2, b2):
    def body(p_ref, h_ref, d_ref, w_ref, b_ref, o_ref):
        agg = sum(p_ref[c] for c in range(NCORES)) + h_ref[...]
        z = jnp.dot(agg * d_ref[...], w_ref[...],
                    preferred_element_type=jnp.float32)
        z = z + b_ref[...]
        m = jnp.max(z, axis=1, keepdims=True)
        e = jnp.exp(z - m)
        lse = jnp.log(jnp.sum(e, axis=1, keepdims=True)) + m
        o_ref[...] = z - lse

    return pl.pallas_call(
        body,
        grid=(_GRID,),
        in_specs=[
            pl.BlockSpec((NCORES, _BLK, HIDDEN), lambda i: (0, i, 0)),
            pl.BlockSpec((_BLK, HIDDEN), lambda i: (i, 0)),
            pl.BlockSpec((_BLK, HIDDEN), lambda i: (i, 0)),
            pl.BlockSpec((HIDDEN, N_CLASSES), lambda i: (0, 0)),
            pl.BlockSpec((1, N_CLASSES), lambda i: (0, 0)),
        ],
        out_specs=pl.BlockSpec((_BLK, N_CLASSES), lambda i: (i, 0)),
        out_shape=jax.ShapeDtypeStruct((N, N_CLASSES), jnp.float32),
    )(P2, hs2, dinv, W2, b2)


def kernel(x, edge_index, W1, b1, W2, b2):
    e32 = edge_index.astype(jnp.int32)
    zeros_init = jnp.zeros((N, HIDDEN), jnp.float32)
    ones_blk = jnp.ones((CHUNK, HIDDEN), jnp.float32)

    degP = _sc_degree(e32, zeros_init, ones_blk)
    hs1, dinv = _tc_prep(x, W1, degP)
    P1 = _sc_aggregate(hs1, e32, zeros_init)
    hs2 = _tc_mid(P1, hs1, dinv, b1.reshape(1, HIDDEN))
    P2 = _sc_aggregate(hs2, e32, zeros_init)
    return _tc_final(P2, hs2, dinv, W2, b2.reshape(1, N_CLASSES))

# --- scband reference (transcript-rebuilt; emitter-appended) ---
"""Pipeline reference for scband-gcn-48430051229905 (READ-ONLY COPY).

The authoritative reference and input builder live on the scoring server;
editing this copy changes nothing except your own understanding.
"""

import jax, jax.numpy as jnp
import numpy as np

N_NODES = 10000
N_EDGES = 320000
D_FEAT = 128
HIDDEN = 16
N_CLASSES = 64


def gcn_conv(x, src, dst, W, b, n_nodes):
    # Linear transform
    h = x @ W
    # Symmetric normalization with self-loops (edges already include loops)
    deg = jnp.zeros((n_nodes,), dtype=x.dtype).at[dst].add(1.0)
    dinv = jnp.where(deg > 0, 1.0 / jnp.sqrt(deg), 0.0)
    norm = dinv[src] * dinv[dst]
    msg = h[src] * norm[:, None]
    out = jnp.zeros((n_nodes, W.shape[1]), dtype=x.dtype).at[dst].add(msg)
    return out + b


def setup_inputs(seed: int = 0) -> dict:
    key = jax.random.key(seed)
    k1, k2, k3, k4 = jax.random.split(key, 4)
    x = jax.random.normal(k1, (N_NODES, D_FEAT), dtype=jnp.float32)
    edge_index = jax.random.randint(k2, (2, N_EDGES), 0, N_NODES, dtype=jnp.int64)
    # Glorot-style init for GCN weights
    W1 = jax.random.normal(k3, (D_FEAT, HIDDEN), dtype=jnp.float32) * (1.0 / np.sqrt(D_FEAT))
    b1 = jnp.zeros((HIDDEN,), dtype=jnp.float32)
    W2 = jax.random.normal(k4, (HIDDEN, N_CLASSES), dtype=jnp.float32) * (1.0 / np.sqrt(HIDDEN))
    b2 = jnp.zeros((N_CLASSES,), dtype=jnp.float32)
    return {"x": x, "edge_index": edge_index, "W1": W1, "b1": b1, "W2": W2, "b2": b2}


def reference(x, edge_index, W1, b1, W2, b2):
    n = x.shape[0]
    loop = jnp.arange(n, dtype=edge_index.dtype)
    src = jnp.concatenate([edge_index[0], loop])
    dst = jnp.concatenate([edge_index[1], loop])
    h = gcn_conv(x, src, dst, W1, b1, n)
    h = jax.nn.relu(h)
    # dropout: inference mode (identity), matching eval-time behavior
    out = gcn_conv(h, src, dst, W2, b2, n)
    return jax.nn.log_softmax(out, axis=1)

if __name__ == "__main__":
    import jax
    _d = setup_inputs()
    print(jax.jit(kernel)(*tuple(_d.values())))

</pallas_src>

<mosaic_0001>
#map = affine_map<(d0, d1) -> (0, 0)>
#map1 = affine_map<(d0, d1) -> (0, 0, 0)>
module attributes {stable_mosaic.version = 14 : i64} {
  func.func @k(%arg0: i32, %arg1: i32, %arg2: memref<2x320000xi32, #tpu.memory_space<hbm>>, %arg3: memref<10000x16xf32, #tpu.memory_space<hbm>>, %arg4: memref<128x16xf32, #tpu.memory_space<hbm>>, %arg5: memref<2x10000x16xf32, #tpu.memory_space<hbm>>, %arg6: memref<10240xi32, #tpu.memory_space<vmem>>, %arg7: memref<128x16xf32, #tpu.memory_space<vmem>>, %arg8: memref<10000x16xf32, #tpu.memory_space<vmem_shared>>, %arg9: memref<!tpu.dma_semaphore, #tpu.memory_space<semaphore_mem>>) attributes {dimension_semantics = [#tpu.dimension_semantics<core_parallel>, #tpu.dimension_semantics<subcore_parallel>], iteration_bounds = array<i64: 2, 16>, scalar_prefetch = 0 : i64, scratch_operands = 4 : i64, tpu.core_type = #tpu.core_type<sc_vector_subcore>, window_params = [{transform_indices = #map}, {transform_indices = #map}, {transform_indices = #map}, {transform_indices = #map1}]} {
    %mul3A = arith.constant 2 : i32
    %mul3A_0 = arith.muli %arg1, %mul3A : i32
    %add3A = arith.addi %mul3A_0, %arg0 : i32
    %mul3A_1 = arith.constant 2500 : i32
    %mul3A_2 = arith.muli %add3A, %mul3A_1 : i32
    %jit3A = arith.constant 32 : i32
    %div3A = arith.divsi %mul3A_2, %jit3A : i32
    %sign3A = arith.constant 0 : i32
    %sign3A_3 = arith.cmpi sgt, %mul3A_2, %sign3A : i32
    %sign3A_4 = arith.extui %sign3A_3 : i1 to i32
    %sign3A_5 = arith.constant 0 : i32
    %sign3A_6 = arith.cmpi slt, %mul3A_2, %sign3A_5 : i32
    %sign3A_7 = arith.extui %sign3A_6 : i1 to i32
    %sign3A_8 = arith.subi %sign3A_4, %sign3A_7 : i32
    %sign3A_9 = arith.constant 0 : i32
    %sign3A_10 = arith.cmpi sgt, %jit3A, %sign3A_9 : i32
    %sign3A_11 = arith.extui %sign3A_10 : i1 to i32
    %sign3A_12 = arith.constant 0 : i32
    %sign3A_13 = arith.cmpi slt, %jit3A, %sign3A_12 : i32
    %sign3A_14 = arith.extui %sign3A_13 : i1 to i32
    %sign3A_15 = arith.subi %sign3A_11, %sign3A_14 : i32
    %ne3A = arith.cmpi ne, %sign3A_8, %sign3A_15 : i32
    %rem3A = arith.remsi %mul3A_2, %jit3A : i32
    %ne3A_16 = arith.constant 0 : i32
    %ne3A_17 = arith.cmpi ne, %rem3A, %ne3A_16 : i32
    %and3A = arith.andi %ne3A, %ne3A_17 : i1
    %sub3A = arith.constant 1 : i32
    %sub3A_18 = arith.subi %div3A, %sub3A : i32
    %select_n3A = arith.select %and3A, %sub3A_18, %div3A : i32
    %add3A_19 = arith.constant 1 : i32
    %add3A_20 = arith.addi %add3A, %add3A_19 : i32
    %mul3A_21 = arith.constant 2500 : i32
    %mul3A_22 = arith.muli %add3A_20, %mul3A_21 : i32
    %jit3A_23 = arith.constant 32 : i32
    %div3A_24 = arith.divsi %mul3A_22, %jit3A_23 : i32
    %sign3A_25 = arith.constant 0 : i32
    %sign3A_26 = arith.cmpi sgt, %mul3A_22, %sign3A_25 : i32
    %sign3A_27 = arith.extui %sign3A_26 : i1 to i32
    %sign3A_28 = arith.constant 0 : i32
    %sign3A_29 = arith.cmpi slt, %mul3A_22, %sign3A_28 : i32
    %sign3A_30 = arith.extui %sign3A_29 : i1 to i32
    %sign3A_31 = arith.subi %sign3A_27, %sign3A_30 : i32
    %sign3A_32 = arith.constant 0 : i32
    %sign3A_33 = arith.cmpi sgt, %jit3A_23, %sign3A_32 : i32
    %sign3A_34 = arith.extui %sign3A_33 : i1 to i32
    %sign3A_35 = arith.constant 0 : i32
    %sign3A_36 = arith.cmpi slt, %jit3A_23, %sign3A_35 : i32
    %sign3A_37 = arith.extui %sign3A_36 : i1 to i32
    %sign3A_38 = arith.subi %sign3A_34, %sign3A_37 : i32
    %ne3A_39 = arith.cmpi ne, %sign3A_31, %sign3A_38 : i32
    %rem3A_40 = arith.remsi %mul3A_22, %jit3A_23 : i32
    %ne3A_41 = arith.constant 0 : i32
    %ne3A_42 = arith.cmpi ne, %rem3A_40, %ne3A_41 : i32
    %and3A_43 = arith.andi %ne3A_39, %ne3A_42 : i1
    %sub3A_44 = arith.constant 1 : i32
    %sub3A_45 = arith.subi %div3A_24, %sub3A_44 : i32
    %select_n3A_46 = arith.select %and3A_43, %sub3A_45, %div3A_24 : i32
    %mul3A_47 = arith.constant 625 : i32
    %mul3A_48 = arith.muli %arg1, %mul3A_47 : i32
    "tpu.region"() ({
      %run_scoped3A_90 = tpu.sem_alloc : memref<!tpu.dma_semaphore, #tpu.memory_space<semaphore_mem>>
      %dma_start3A = arith.constant 0 : i32
      %dma_start3A_91 = tpu.memref_slice %arg8[%mul3A_48, %dma_start3A] : memref<10000x16xf32, #tpu.memory_space<vmem_shared>> -> memref<625x16xf32, #tpu.memory_space<vmem_shared>>
      %dma_start3A_92 = arith.constant 0 : i32
      %dma_start3A_93 = tpu.memref_slice %arg3[%mul3A_48, %dma_start3A_92] : memref<10000x16xf32, #tpu.memory_space<hbm>> -> memref<625x16xf32, #tpu.memory_space<hbm>>
      tpu.enqueue_dma source(%dma_start3A_93 : memref<625x16xf32, #tpu.memory_space<hbm>>) target(%dma_start3A_91 : memref<625x16xf32, #tpu.memory_space<vmem_shared>>) target_semaphore(%run_scoped3A_90 : memref<!tpu.dma_semaphore, #tpu.memory_space<semaphore_mem>>)
      %dma_wait3A = arith.constant 0 : i32
      %dma_wait3A_94 = tpu.memref_slice %arg8[%mul3A_48, %dma_wait3A] : memref<10000x16xf32, #tpu.memory_space<vmem_shared>> -> memref<625x16xf32, #tpu.memory_space<vmem_shared>>
      %dma_wait3A_95 = arith.constant 0 : i32
      %dma_wait3A_96 = tpu.memref_slice %arg3[%mul3A_48, %dma_wait3A_95] : memref<10000x16xf32, #tpu.memory_space<hbm>> -> memref<625x16xf32, #tpu.memory_space<hbm>>
      tpu.wait_dma2 semaphore(%run_scoped3A_90 : memref<!tpu.dma_semaphore, #tpu.memory_space<semaphore_mem>>) src(%dma_wait3A_96 : memref<625x16xf32, #tpu.memory_space<hbm>>) dst(%dma_wait3A_94 : memref<625x16xf32, #tpu.memory_space<vmem_shared>>)
      tpu.yield
    }) : () -> ()
    "tpu.region"() ({
      %run_scoped3A_90 = tpu.sem_alloc : memref<!tpu.dma_semaphore, #tpu.memory_space<semaphore_mem>>
      tpu.enqueue_dma source(%arg4 : memref<128x16xf32, #tpu.memory_space<hbm>>) target(%arg7 : memref<128x16xf32, #tpu.memory_space<vmem>>) target_semaphore(%run_scoped3A_90 : memref<!tpu.dma_semaphore, #tpu.memory_space<semaphore_mem>>)
      tpu.wait_dma2 semaphore(%run_scoped3A_90 : memref<!tpu.dma_semaphore, #tpu.memory_space<semaphore_mem>>) src(%arg4 : memref<128x16xf32, #tpu.memory_space<hbm>>) dst(%arg7 : memref<128x16xf32, #tpu.memory_space<vmem>>)
      tpu.yield
    }) : () -> ()
    %mul3A_49 = arith.constant 128 : i32
    %mul3A_50 = arith.muli %select_n3A, %mul3A_49 : i32
    %run_scoped3A = arith.constant 1 : i32
    "tpu.region"() ({
      %run_scoped3A_90 = tpu.sem_alloc : memref<!tpu.dma_semaphore, #tpu.memory_space<semaphore_mem>>
      %dma_start3A = tpu.memref_slice %arg2[%run_scoped3A, %mul3A_50] : memref<2x320000xi32, #tpu.memory_space<hbm>> -> memref<1x10240xi32, #tpu.memory_space<hbm>>
      %dma_start3A_91 = tpu.memref_squeeze %dma_start3A : memref<1x10240xi32, #tpu.memory_space<hbm>> -> memref<10240xi32, #tpu.memory_space<hbm>>
      %dma_start3A_92 = tpu.memref_slice %arg2[%run_scoped3A, %mul3A_50] : memref<2x320000xi32, #tpu.memory_space<hbm>> -> memref<1x10240xi32, #tpu.memory_space<hbm>>
      %dma_start3A_93 = tpu.memref_squeeze %dma_start3A_92 : memref<1x10240xi32, #tpu.memory_space<hbm>> -> memref<10240xi32, #tpu.memory_space<hbm>>
      tpu.enqueue_dma source(%dma_start3A_93 : memref<10240xi32, #tpu.memory_space<hbm>>) target(%arg6 : memref<10240xi32, #tpu.memory_space<vmem>>) target_semaphore(%run_scoped3A_90 : memref<!tpu.dma_semaphore, #tpu.memory_space<semaphore_mem>>)
      %dma_wait3A = tpu.memref_slice %arg2[%run_scoped3A, %mul3A_50] : memref<2x320000xi32, #tpu.memory_space<hbm>> -> memref<1x10240xi32, #tpu.memory_space<hbm>>
      %dma_wait3A_94 = tpu.memref_squeeze %dma_wait3A : memref<1x10240xi32, #tpu.memory_space<hbm>> -> memref<10240xi32, #tpu.memory_space<hbm>>
      %dma_wait3A_95 = tpu.memref_slice %arg2[%run_scoped3A, %mul3A_50] : memref<2x320000xi32, #tpu.memory_space<hbm>> -> memref<1x10240xi32, #tpu.memory_space<hbm>>
      %dma_wait3A_96 = tpu.memref_squeeze %dma_wait3A_95 : memref<1x10240xi32, #tpu.memory_space<hbm>> -> memref<10240xi32, #tpu.memory_space<hbm>>
      tpu.wait_dma2 semaphore(%run_scoped3A_90 : memref<!tpu.dma_semaphore, #tpu.memory_space<semaphore_mem>>) src(%dma_wait3A_96 : memref<10240xi32, #tpu.memory_space<hbm>>) dst(%arg6 : memref<10240xi32, #tpu.memory_space<vmem>>)
      tpu.yield
    }) : () -> ()
    %barrier3A = arith.constant 0 : index
    tpu.barrier barrier_id(%barrier3A)
    %sub3A_51 = arith.subi %select_n3A_46, %select_n3A : i32
    %sub3A_52 = arith.constant 0 : i32
    %sub3A_53 = arith.subi %sub3A_51, %sub3A_52 : i32
    %sub3A_54 = arith.constant 1 : i32
    %sub3A_55 = arith.constant 1 : i32
    %sub3A_56 = arith.subi %sub3A_54, %sub3A_55 : i32
    %add3A_57 = arith.addi %sub3A_53, %sub3A_56 : i32
    %div3A_58 = arith.constant 1 : i32
    %div3A_59 = arith.divsi %add3A_57, %div3A_58 : i32
    %while3A = arith.constant 1 : i32
    %while3A_60 = arith.constant 0 : i32
    %while3A_61 = arith.constant 0 : i32
    %while3A_62 = arith.subi %div3A_59, %while3A_61 : i32
    %while3A_63 = arith.addi %while3A_61, %while3A_62 : i32
    %while3A_64 = arith.constant 1 : i32
    %while3A_65 = arith.divsi %while3A_62, %while3A_64 : i32
    %while3A_66 = arith.muli %while3A_65, %while3A_64 : i32
    %while3A_67 = arith.addi %while3A_61, %while3A_66 : i32
    %while3A_68 = arith.constant 1 : i32
    scf.for %while3A_90 = %while3A_61 to %while3A_67 step %while3A_68  : i32 {
      %mul3A_91 = arith.muli %while3A_90, %while3A : i32
      %add3A_92 = arith.addi %while3A_60, %mul3A_91 : i32
      %mul3A_93 = arith.constant 128 : i32
      %mul3A_94 = arith.muli %add3A_92, %mul3A_93 : i32
      %dma_start3A = tpu.memref_slice %arg6[%mul3A_94] : memref<10240xi32, #tpu.memory_space<vmem>> -> memref<128xi32, #tpu.memory_space<vmem>>
      %dma_start3A_95 = arith.constant 0 : i32
      %dma_start3A_96 = arith.constant 0 : i32
      %dma_start3A_97 = tpu.memref_slice %arg8[%dma_start3A_95, %dma_start3A_96] : memref<10000x16xf32, #tpu.memory_space<vmem_shared>> -> memref<10000x16xf32, #tpu.memory_space<vmem_shared>>
      tpu.enqueue_indirect_dma source(%arg7 : memref<128x16xf32, #tpu.memory_space<vmem>>) target(%dma_start3A_97 : memref<10000x16xf32, #tpu.memory_space<vmem_shared>>) offsets(%dma_start3A : memref<128xi32, #tpu.memory_space<vmem>>) semaphore(%arg9 : memref<!tpu.dma_semaphore, #tpu.memory_space<semaphore_mem>>) {add = true}
    }
    %while3A_69 = arith.constant 1 : i32
    scf.for %while3A_90 = %while3A_67 to %while3A_63 step %while3A_69  : i32 {
      %mul3A_91 = arith.muli %while3A_90, %while3A : i32
      %add3A_92 = arith.addi %while3A_60, %mul3A_91 : i32
      %mul3A_93 = arith.constant 128 : i32
      %mul3A_94 = arith.muli %add3A_92, %mul3A_93 : i32
      %dma_start3A = tpu.memref_slice %arg6[%mul3A_94] : memref<10240xi32, #tpu.memory_space<vmem>> -> memref<128xi32, #tpu.memory_space<vmem>>
      %dma_start3A_95 = arith.constant 0 : i32
      %dma_start3A_96 = arith.constant 0 : i32
      %dma_start3A_97 = tpu.memref_slice %arg8[%dma_start3A_95, %dma_start3A_96] : memref<10000x16xf32, #tpu.memory_space<vmem_shared>> -> memref<10000x16xf32, #tpu.memory_space<vmem_shared>>
      tpu.enqueue_indirect_dma source(%arg7 : memref<128x16xf32, #tpu.memory_space<vmem>>) target(%dma_start3A_97 : memref<10000x16xf32, #tpu.memory_space<vmem_shared>>) offsets(%dma_start3A : memref<128xi32, #tpu.memory_space<vmem>>) semaphore(%arg9 : memref<!tpu.dma_semaphore, #tpu.memory_space<semaphore_mem>>) {add = true}
    }
    %sub3A_70 = arith.constant 0 : i32
    %sub3A_71 = arith.subi %sub3A_51, %sub3A_70 : i32
    %sub3A_72 = arith.constant 1 : i32
    %sub3A_73 = arith.constant 1 : i32
    %sub3A_74 = arith.subi %sub3A_72, %sub3A_73 : i32
    %add3A_75 = arith.addi %sub3A_71, %sub3A_74 : i32
    %div3A_76 = arith.constant 1 : i32
    %div3A_77 = arith.divsi %add3A_75, %div3A_76 : i32
    %while3A_78 = arith.constant 1 : i32
    %while3A_79 = arith.constant 0 : i32
    %while3A_80 = arith.constant 0 : i32
    %while3A_81 = arith.subi %div3A_77, %while3A_80 : i32
    %while3A_82 = arith.addi %while3A_80, %while3A_81 : i32
    %while3A_83 = arith.constant 1 : i32
    %while3A_84 = arith.divsi %while3A_81, %while3A_83 : i32
    %while3A_85 = arith.muli %while3A_84, %while3A_83 : i32
    %while3A_86 = arith.addi %while3A_80, %while3A_85 : i32
    %while3A_87 = arith.constant 1 : i32
    scf.for %while3A_90 = %while3A_80 to %while3A_86 step %while3A_87  : i32 {
      %mul3A_91 = arith.muli %while3A_90, %while3A_78 : i32
      %add3A_92 = arith.addi %while3A_79, %mul3A_91 : i32
      %mul3A_93 = arith.constant 128 : i32
      %mul3A_94 = arith.muli %add3A_92, %mul3A_93 : i32
      %dma_wait3A = tpu.memref_slice %arg6[%mul3A_94] : memref<10240xi32, #tpu.memory_space<vmem>> -> memref<128xi32, #tpu.memory_space<vmem>>
      %dma_wait3A_95 = arith.constant 0 : i32
      %dma_wait3A_96 = arith.constant 0 : i32
      %dma_wait3A_97 = tpu.memref_slice %arg8[%dma_wait3A_95, %dma_wait3A_96] : memref<10000x16xf32, #tpu.memory_space<vmem_shared>> -> memref<10000x16xf32, #tpu.memory_space<vmem_shared>>
      tpu.wait_indirect_dma semaphore(%arg9 : memref<!tpu.dma_semaphore, #tpu.memory_space<semaphore_mem>>) src(%arg7 : memref<128x16xf32, #tpu.memory_space<vmem>>) dst(%dma_wait3A_97 : memref<10000x16xf32, #tpu.memory_space<vmem_shared>>)
    }
    %while3A_88 = arith.constant 1 : i32
    scf.for %while3A_90 = %while3A_86 to %while3A_82 step %while3A_88  : i32 {
      %mul3A_91 = arith.muli %while3A_90, %while3A_78 : i32
      %add3A_92 = arith.addi %while3A_79, %mul3A_91 : i32
      %mul3A_93 = arith.constant 128 : i32
      %mul3A_94 = arith.muli %add3A_92, %mul3A_93 : i32
      %dma_wait3A = tpu.memref_slice %arg6[%mul3A_94] : memref<10240xi32, #tpu.memory_space<vmem>> -> memref<128xi32, #tpu.memory_space<vmem>>
      %dma_wait3A_95 = arith.constant 0 : i32
      %dma_wait3A_96 = arith.constant 0 : i32
      %dma_wait3A_97 = tpu.memref_slice %arg8[%dma_wait3A_95, %dma_wait3A_96] : memref<10000x16xf32, #tpu.memory_space<vmem_shared>> -> memref<10000x16xf32, #tpu.memory_space<vmem_shared>>
      tpu.wait_indirect_dma semaphore(%arg9 : memref<!tpu.dma_semaphore, #tpu.memory_space<semaphore_mem>>) src(%arg7 : memref<128x16xf32, #tpu.memory_space<vmem>>) dst(%dma_wait3A_97 : memref<10000x16xf32, #tpu.memory_space<vmem_shared>>)
    }
    %barrier3A_89 = arith.constant 0 : index
    tpu.barrier barrier_id(%barrier3A_89)
    "tpu.region"() ({
      %run_scoped3A_90 = tpu.sem_alloc : memref<!tpu.dma_semaphore, #tpu.memory_space<semaphore_mem>>
      %dma_start3A = arith.constant 0 : i32
      %dma_start3A_91 = tpu.memref_slice %arg5[%arg0, %mul3A_48, %dma_start3A] : memref<2x10000x16xf32, #tpu.memory_space<hbm>> -> memref<1x625x16xf32, #tpu.memory_space<hbm>>
      %dma_start3A_92 = tpu.memref_squeeze %dma_start3A_91 : memref<1x625x16xf32, #tpu.memory_space<hbm>> -> memref<625x16xf32, #tpu.memory_space<hbm>>
      %dma_start3A_93 = arith.constant 0 : i32
      %dma_start3A_94 = tpu.memref_slice %arg8[%mul3A_48, %dma_start3A_93] : memref<10000x16xf32, #tpu.memory_space<vmem_shared>> -> memref<625x16xf32, #tpu.memory_space<vmem_shared>>
      tpu.enqueue_dma source(%dma_start3A_94 : memref<625x16xf32, #tpu.memory_space<vmem_shared>>) target(%dma_start3A_92 : memref<625x16xf32, #tpu.memory_space<hbm>>) target_semaphore(%run_scoped3A_90 : memref<!tpu.dma_semaphore, #tpu.memory_space<semaphore_mem>>)
      %dma_wait3A = arith.constant 0 : i32
      %dma_wait3A_95 = tpu.memref_slice %arg5[%arg0, %mul3A_48, %dma_wait3A] : memref<2x10000x16xf32, #tpu.memory_space<hbm>> -> memref<1x625x16xf32, #tpu.memory_space<hbm>>
      %dma_wait3A_96 = tpu.memref_squeeze %dma_wait3A_95 : memref<1x625x16xf32, #tpu.memory_space<hbm>> -> memref<625x16xf32, #tpu.memory_space<hbm>>
      %dma_wait3A_97 = arith.constant 0 : i32
      %dma_wait3A_98 = tpu.memref_slice %arg8[%mul3A_48, %dma_wait3A_97] : memref<10000x16xf32, #tpu.memory_space<vmem_shared>> -> memref<625x16xf32, #tpu.memory_space<vmem_shared>>
      tpu.wait_dma2 semaphore(%run_scoped3A_90 : memref<!tpu.dma_semaphore, #tpu.memory_space<semaphore_mem>>) src(%dma_wait3A_98 : memref<625x16xf32, #tpu.memory_space<vmem_shared>>) dst(%dma_wait3A_96 : memref<625x16xf32, #tpu.memory_space<hbm>>)
      tpu.yield
    }) : () -> ()
    return
  }
}

</mosaic_0001>

<sc_bundles>
// kernel: _sc_degree.3.cloned.1.call-start
scs
__scs_entry_jumppad:
0x0: {  	(pc) =	sbr.rel $0x88, $3  }
0x1: {  	(tag) =	ssettag $0x0;
	lr =	simm.s32 $0x1  }
0x2: {  	[smem:$0x3F9E] =	sst lr;
	_ =	strace $0xD0000000  }
0x3: {  	_ = 	snop  }
0x4: {  	_ = 	snop  }
0x5: {  	_ = 	snop  }
0x6: {  	_ = 	snop  }
0x7: {  	_ = 	snop  }
__scs_overlays_trampoline_lowered:
0x8: {  	[smem:$0x3FAD] =	sst s0  }
0x9: {  	[smem:$0x3FAE] =	sst s1  }
0xa: {  	[smem:$0x3FAF] =	sst s2  }
0xb: {  	[smem:$0x3FB0] =	sst s3  }
0xc: {  	[smem:$0x3FB1] =	sst s4  }
0xd: {  	[smem:$0x3FB2] =	sst s5  }
0xe: {  	[smem:$0x3FB3] =	sst s6  }
0xf: {  	[smem:$0x3FB4] =	sst s7  }
0x10: {  	[smem:$0x3FB5] =	sst s8  }
0x11: {  	[smem:$0x3FB6] =	sst s9;
	s0 =	simm.s32 @!p0 $0x0  }
0x12: {  	s1 =	sld [smem:$0x3F9C];
	s0 =	simm.s32 @p0 $0x1  }
0x13: {  	[smem:$0x3FB7] =	sst s0;
	s0 =	simm.s32 @!p1 $0x0  }
0x14: {  	s2 =	sld [smem:$0x3F9B];
	s0 =	simm.s32 @p1 $0x1  }
0x15: {  	[smem:$0x3FB8] =	sst s0;
	s0 =	simm.s32 @!p2 $0x0  }
0x16: {  	s3 =	sld [smem:$0x3FDB];
	s0 =	simm.s32 @p2 $0x1  }
0x17: {  	s4 =	simm.s32 $0x1BF5;
	[smem:$0x3FBA] =	sst s0  }
0x18: {  	s0 =	sld [smem:$0x3F9D];
	_ =	swait.ge [sflag:s4], $0x0  }
0x19: {  	s7 =	sld [smem:$0x3F9E]  }
0x1a: {  	s8 =	sadd.s32 $0xFFFFE003, lr  }
0x1b: {  	s9 =	sadd.s32 $0xFFFFFEF7, lr;
	s5 =	simm.s32 $0xFFFFFFFF;
	p2 =	slt.u32 s8, $0xFFFFF086  }
0x1c: {  	p1 =	slt.u32 s9, $0xF7A;
	s5 =	simm.s32 @!p2 $0x0  }
0x1d: {  	s5 =	simm.s32 @p1 $0x1;
	p0 =	seq.s32 s7, s2  }
0x1e: {  	s7 =	smul.u32 @!p0 $0xF7A, s2;
	p2 =	seq.s32 @!p0 s5, $0x0  }
0x1f: {  	s9 =	smul.u32 $0xF7A, s1;
	s8 =	simm.s32 @!p0 $0x1BF5;
	p2 =	por !p2, p0  }
0x20: {  	[sflag:s8] =	ssyncset.s32 @!p0 $0xFFFFF086;
	s6 =	sadd.s32 @!p0 s3, s7;
	s7 =	simm.s32 @!p0 $0x108  }
0x21: {  	s3 =	sadd.s32 s3, s9;
	s6 =	sadd.s32 @!p0 $0x88, s6;
	s7 =	simm.s32 @p2 $0x1082  }
0x22: {  	[simem:s7], [sflag:s8] =	dma.local @!p0 [hbm:s6], $0xF7A  }
0x23: {  	s9 =	sor.u32 $0xD0000000, s2;
	s6 =	simm.s32 $0x108;
	_ =	swait.ge @!p0 [sflag:s8], $0x0  }
0x24: {  	s3 =	sadd.s32 $0x88, s3;
	s6 =	simm.s32 @!p1 $0x1082;
	[sflag:s4] =	ssyncset.s32 $0xFFFFF086  }
0x25: {  	[simem:s6], [sflag:s4] =	dma.local [hbm:s3], $0xF7A  }
0x26: {  	[smem:$0x3F9E] =	sst s1;
	(tag) =	ssettag s2;
	_ =	strace s9  }
0x27: {  	s1 =	sld [smem:$0x3FAE]  }
0x28: {  	s2 =	sld [smem:$0x3FAF]  }
0x29: {  	s4 =	sld [smem:$0x3FB1]  }
0x2a: {  	p0 =	seq.s32 s5, $0x0;
	s5 =	sld [smem:$0x3FB2]  }
0x2b: {  	s6 =	sld [smem:$0x3FB3]  }
0x2c: {  	s7 =	sld [smem:$0x3FB4]  }
0x2d: {  	s3 =	simm.s32 $0x108;
	s8 =	sld [smem:$0x3FB5]  }
0x2e: {  	s3 =	simm.s32 @!p0 $0x1082;
	s9 =	sld [smem:$0x3FB6]  }
0x2f: {  	lr =	sadd.s32 s0, s3;
	s0 =	sld [smem:$0x3FAD]  }
0x30: {  	s3 =	sld [smem:$0x3FB0]  }
0x31: {  	[smem:$0x3FB9] =	sst s10  }
0x32: {  	s10 =	sld [smem:$0x3FB7];
	_ =	sdelay $0x3  }
0x33: {  	p0 =	seq.s32 s10, $0x1;
	s10 =	sld [smem:$0x3FB9];
	_ =	sdelay $0x3  }
0x34: {  	[smem:$0x3FB9] =	sst s10  }
0x35: {  	s10 =	sld [smem:$0x3FB8];
	_ =	sdelay $0x3  }
0x36: {  	p1 =	seq.s32 s10, $0x1;
	s10 =	sld [smem:$0x3FB9];
	_ =	sdelay $0x3  }
0x37: {  	[smem:$0x3FB9] =	sst s10  }
0x38: {  	s10 =	sld [smem:$0x3FBA]  }
0x39: {  	_ = 	snop;
	(pc) =	sbr.ind lr, $3  }
0x3a: {  	_ = 	snop  }
0x3b: {  	_ = 	snop  }
0x3c: {  	p2 =	seq.s32 s10, $0x1;
	s10 =	sld [smem:$0x3FB9]  }
0x3d: {  	_ =	shalt  }
0x3e: {  	_ =	shalt  }
0x3f: {  	_ =	shalt  }
0x40: {  	_ =	shalt  }
0x41: {  	_ =	shalt  }
0x42: {  	_ =	shalt  }
0x43: {  	_ =	shalt  }
0x44: {  	_ =	shalt  }
0x45: {  	_ =	shalt  }
0x46: {  	_ =	shalt  }
0x47: {  	_ =	shalt  }
0x48: {  	_ =	shalt  }
0x49: {  	_ =	shalt  }
0x4a: {  	_ =	shalt  }
0x4b: {  	_ =	shalt  }
0x4c: {  	_ =	shalt  }
0x4d: {  	_ =	shalt  }
0x4e: {  	_ =	shalt  }
0x4f: {  	_ =	shalt  }
0x50: {  	_ =	shalt  }
0x51: {  	_ =	shalt  }
0x52: {  	_ =	shalt  }
0x53: {  	_ =	shalt  }
0x54: {  	_ =	shalt  }
0x55: {  	_ =	shalt  }
0x56: {  	_ =	shalt  }
0x57: {  	_ =	shalt  }
0x58: {  	_ =	shalt  }
0x59: {  	_ =	shalt  }
0x5a: {  	_ =	shalt  }
0x5b: {  	_ =	shalt  }
0x5c: {  	_ =	shalt  }
0x5d: {  	_ =	shalt  }
0x5e: {  	_ =	shalt  }
0x5f: {  	_ =	shalt  }
0x60: {  	_ =	shalt  }
0x61: {  	_ =	shalt  }
0x62: {  	_ =	shalt  }
0x63: {  	_ =	shalt  }
0x64: {  	_ =	shalt  }
0x65: {  	_ =	shalt  }
0x66: {  	_ =	shalt  }
0x67: {  	_ =	shalt  }
0x68: {  	_ =	shalt  }
0x69: {  	_ =	shalt  }
0x6a: {  	_ =	shalt  }
0x6b: {  	_ =	shalt  }
0x6c: {  	_ =	shalt  }
0x6d: {  	_ =	shalt  }
0x6e: {  	_ =	shalt  }
0x6f: {  	_ =	shalt  }
0x70: {  	_ =	shalt  }
0x71: {  	_ =	shalt  }
0x72: {  	_ =	shalt  }
0x73: {  	_ =	shalt  }
0x74: {  	_ =	shalt  }
0x75: {  	_ =	shalt  }
0x76: {  	_ =	shalt  }
0x77: {  	_ =	shalt  }
0x78: {  	_ =	shalt  }
0x79: {  	_ =	shalt  }
0x7a: {  	_ =	shalt  }
0x7b: {  	_ =	shalt  }
0x7c: {  	_ =	shalt  }
0x7d: {  	_ =	shalt  }
0x7e: {  	_ =	shalt  }
0x7f: {  	_ =	shalt  }
0x80: {  	_ =	shalt  }
0x81: {  	_ =	shalt  }
0x82: {  	_ =	shalt  }
0x83: {  	_ =	shalt  }
0x84: {  	_ =	shalt  }
0x85: {  	_ =	shalt  }
0x86: {  	_ =	shalt  }
0x87: {  	_ =	shalt  }
.Lfunc_end0:
.L_simem_size_0:
called_computation_lowered:
.L_overlay_start_0:
0x88: {  	s2 =	sld [smem:$0x3FD9]  }
0x89: {  	s3 =	sld [smem:$0x3FFE];
	_ =	sdelay $0x1  }
0x8a: {  	s1 =	srdreg.scid  }
0x8b: {  	s0 =	sand.u32 $0x1, s1  }
0x8c: {  	s17 =	sshll.u32 s0, $0xA;
	s2 =	sadd.s32 s3, s2  }
0x8d: {  	s2 =	sadd.s32 s2, s17  }
0x8e: {  	[smem:$0x3FC5] =	sst s2  }
0x8f: {  	_ = 	snop  }
0x90: {  	s2 =	sld [smem:$0x3FD0];
	(tm) =	ssettm $0x1  }
0x91: {  	s18 =	sld [smem:$0x3FFB];
	_ =	sdelay $0x3  }
0x92: {  	_ =	strace s18  }
0x93: {  	s3 =	sld [smem:$0x3FFC];
	_ =	sdelay $0x3  }
0x94: {  	_ =	strace s3  }
0x95: {  	s3 =	sld [smem:$0x3FFD];
	_ =	sdelay $0x3  }
0x96: {  	_ =	strace s3  }
0x97: {  	_ =	strace $0x8FFFFFFF  }
0x98: {  	s19 =	sld [smem:$0x3FDB];
	_ =	sdelay $0x1  }
0x99: {  	s4 =	simm.s32 $_scs_section_size  }
0x9a: {  	s5 =	simm.s32 $_size__tile_overlayer_lowered;
	s6 =	simm.s32 $_tile_overlayer_lowered  }
0x9b: {  	s22 =	simm.s32 $0x1BFF;
	s21 =	sshll.u32 s6, $0x1;
	s3 =	sadd.s32 s4, s19  }
0x9c: {  	s7 =	simm.s32 $0x0;
	s20 =	sshll.u32 s5, $0x1;
	s5 =	sadd.s32 s21, s3  }
0x9d: {  	[timem:s7], [sflag:s22] =	dma.local [hbm:s5], s20  }
0x9e: {  	_ =	swait.ge [sflag:s22], s20  }
0x9f: {  	s4 =	ssub.s32 $0x0, s20;
	[sflag:s22] =	ssyncset.done $0x0  }
0xa0: {  	[sflag:s22] =	ssyncadd.s32 s4;
	_ =	sdelay $0x1  }
0xa1: {  	s23 =	simm.s32 $0x1B8B  }
0xa2: {  	_ =	swait.ge [sflag:s23], $0x1  }
0xa3: {  	[sflag:s23] =	ssyncset.done $0x0  }
0xa4: {  	s25 =	simm.s32 $0x1B8E;
	s24 =	sld [smem:$0x3FFE];
	[sflag:s23] =	ssyncadd.s32 $0xFFFFFFFF  }
0xa5: {  	s26 =	simm.s32 $execute0_lowered;
	[smem:$0x3FD2] =	sst s25  }
0xa6: {  	s5 =	sshll.u32 s26, $0x1;
	_ =	strace $0x80000046;
	[dreg:$0x1] =	wrdreg $0xFFFFFFFF  }
0xa7: {  	s28 =	simm.s32 $_size_execute0_lowered;
	s3 =	sadd.s32 s3, s5;
	[dreg:$0x0] =	wrdreg $0x0  }
0xa8: {  	s5 =	sshll.u32 s28, $0x1;
	[dreg:$0x2] =	wrdreg s3  }
0xa9: {  	[dreg:$0x3] =	wrdreg s5  }
0xaa: {  	[dreg:$0x4] =	wrdreg $0xC0  }
0xab: {  	_ =	task [dreg:s7], $0x5FFFF  }
0xac: {  	[dreg:$0x1] =	wrdreg $0xFFFFFFFF  }
0xad: {  	[dreg:$0x0] =	wrdreg $0x60  }
0xae: {  	[dreg:$0x2] =	wrdreg s24  }
0xaf: {  	[dreg:$0x3] =	wrdreg s2  }
0xb0: {  	[dreg:$0x4] =	wrdreg $0x30000  }
0xb1: {  	[dreg:$0x5] =	wrdreg $0x9  }
0xb2: {  	_ =	task.clear_ibuf [dreg:s7], $0x6FFFF;
	_ =	strace $0x90000046  }
0xb3: {  	s29 =	simm.s32 $0x9;
	_ =	strace $0x80000048  }
0xb4: {  	_ =	swait.ge [sflag:s29], $0x1  }
0xb5: {  	[sflag:s29] =	ssyncadd.s32 $0xFFFFFFFF  }
0xb6: {  	_ =	strace $0x90000048  }
0xb7: {  	_ =	sfence  }
0xb8: {  	s30 =	sld [smem:$0x0];
	_ =	sdelay $0x2  }
0xb9: {  	s31 =	sshll.u32 s1, $0xD;
	s1 =	sshrl.u32 s1, $0x2  }
0xba: {  	s3 =	sand.u32 $0x4000, s31;
	s1 =	sadd.s32 s1, s30  }
0xbb: {  	s0 =	sor.u32 s3, s0;
	s1 =	sshll.u32 s1, $0x11  }
0xbc: {  	s0 =	sor.u32 s1, s0  }
0xbd: {  	s0 =	sadd.s32 $0x8F2B, s0  }
0xbe: {  	[sflag:s0] =	ssyncadd.remote.s32 $0x1  }
0xbf: {  	_ =	sfence.sel $0xFFFF  }
0xc0: {  	[dreg:$0x0] =	wrdreg $0xFFFFFFFF;
	(pc) =	sbr.abs _section_cstart, $3  }
0xc1: {  	[dreg:$0x1] =	wrdreg $0xFFFFFFFF  }
0xc2: {  	_ =	task.clear_ibuf [dreg:s7], $0x2FFFF;
	_ =	strace $0x9FFFFFFF  }
0xc3: {  	(tm) =	ssettm $0x7FFFFFFF  }
tec
execute0_lowered:
.L_overlay_start_1:
0x0: {  	(tag) =	ssettag $0x1  }
0x1: {  	s4 =	rddreg [dreg:$0x0]  }
0x2: {  	s1 =	srdreg.scid;
	s9 =	rddreg [dreg:$0x1]  }
0x3: {  	s0 =	stileid.u32;
	s2 =	rddreg [dreg:$0x2]  }
0x4: {  	s3 =	simm.s32 $0x0;
	s16 =	simm.s32 $0x0;
	s5 =	sand.u32 $0x1, s1  }
0x5: {  	s26 =	sshll.u32 s0, $0x1;
	[smem:$0x7FF] =	sst s3;
	s7 =	smul.u32 $0x2710, s0  }
0x6: {  	s29 =	sshll.u32 s0, $0x6;
	s1 =	sor.u32 s5, s26;
	s28 =	smul.u32 $0x27100, s5  }
0x7: {  	s12 =	ssub.s32 $0x2, s5;
	s6 =	smul.u32 $0x9C4, s1;
	s1 =	rddreg [dreg:$0x3]  }
0x8: {  	_ =	strace $0x80000047;
	s11 =	sshrl.u32 s7, $0x3;
	s13 =	sshrl.u32 s12, $0x1  }
0x9: {  	s15 =	sadd.s32 s7, s2;
	s11 =	sadd.s32 s11, s4;
	s12 =	ssub.s32 s12, s13  }
0xa: {  	s30 =	sadd.s32 s7, s28;
	s13 =	simm.s32 $0x2800;
	s8 =	sshrl.u32 s6, $0x5  }
0xb: {  	s6 =	sadd.s32 $0x9C4, s6;
	s5 =	sadd.s32 $0x14200, s11;
	s31 =	sshrl.u32 s30, $0x3  }
.Ltmp0:
0xc: {  	s11 =	sshrl.u32 s15, $0x3;
	s15 =	simm.s32 $0x1;
	(pc) =	sbr.rel .LBB2_1-.Ltmp0, $4  }
0xd: {  	s10 =	sshll.u32 s8, $0x4;
	s14 =	sshrl.u32 s6, $0x5;
	s6 =	sor.u32 $0x1C02, s29  }
0xe: {  	s9 =	sadd.s32 s9, s31;
	s10 =	sadd.s32 s10, s4;
	s4 =	sadd.s32 $0x600, s4  }
0xf: {  	s8 =	ssub.s32 s14, s8;
	s14 =	simm.s32 $0x80;
	s7 =	sadd.s32 $0xA440, s10  }
0x10: {  	s10 =	smax.u32 s12, $0x1;
	p0 =	slt.s32 s8, $0x1;
	s12 =	simm.s32 $0x2  }
.LBB2_6:
0x11: {  	[sflag:s15] =	ssyncadd.s32 $0xFFFFF800  }
.LBB2_7:
0x12: {  	s16 =	sadd.s32 $0x1, s16  }
0x13: {  	p1 =	sne.s32 s16, s10  }
.Ltmp1:
0x14: {  	[bflag:$0x0] =	sbarrier.arrive $0xFFFF;
	(pc) =	sbr.rel @!p1 .LBB2_8-.Ltmp1, $4  }
0x15: {  	[hbm:s9], [sflag:s6] =	dma.local [spmem:s11], $0x4E2  }
0x16: {  	_ =	swait.ge [sflag:s12], $0x4E2  }
0x17: {  	[sflag:s12] =	ssyncset.done $0x0  }
0x18: {  	[sflag:s12] =	ssyncadd.s32 $0xFFFFFB1E  }
.LBB2_1:
0x19: {  	[spmem:s11], [sflag:s6] =	dma.local [hbm:s5], $0x4E2  }
0x1a: {  	_ =	swait.ge [sflag:s12], $0x4E2  }
0x1b: {  	[sflag:s12] =	ssyncset.done $0x0  }
0x1c: {  	[sflag:s12] =	ssyncadd.s32 $0xFFFFFB1E  }
0x1d: {  	[tilespmem:s13], [sflag:$0x2] =	stream.linear.gather [hbm4b:s4+s3], $0x800, $0x38;
	[tilespmem:$0x5710] =	vst v63  }
0x1e: {  	_ =	swait.ge [sflag:s12], $0x800  }
0x1f: {  	[sflag:s12] =	ssyncset.done $0x0  }
0x20: {  	[sflag:s12] =	ssyncadd.s32 $0xFFFFF800  }
0x21: {  	[tilespmem:s3], [sflag:$0x2] =	stream.linear.gather [hbm4b:s7+s3], $0x2800, $0x38;
	[tilespmem:$0x5710] =	vst v63  }
.Ltmp2:
0x22: {  	_ =	swait.ge [sflag:s12], $0x2800;
	(pc) =	sbr.rel @p0 .LBB2_7-.Ltmp2, $3  }
0x23: {  	[sflag:s12] =	ssyncset.done $0x0  }
0x24: {  	[sflag:s12] =	ssyncadd.s32 $0xFFFFD800  }
0x25: {  	[bflag:$0x0] =	sbarrier.arrive $0xFFFF;
	_ =	sdelay $0x1  }
0x26: {  	s17 =	sadd.s32 $0x1, s3  }
0x27: {  	p1 =	slt.s32 s17, s8  }
.Ltmp3:
0x28: {  	_ = 	snop;
	(pc) =	sbr.rel @!p1 .LBB2_4-.Ltmp3, $3  }
0x29: {  	_ =	sdelay $0x1  }
0x2a: {  	[spmem:s2] =	stream.indirect.scatter.add.f32 [tilespmem:s13], [sflag:$0x1], $0x10, s3, s14, $0xb8;
	[tilespmem:$0x5710] =	vst v63  }
0x2b: {  	s18 =	simm.s32 $0x0  }
.LBB2_3:
0x2c: {  	s17 =	sadd.s32 $0x1, s17  }
0x2d: {  	p1 =	slt.s32 s17, s8  }
.Ltmp4:
0x2e: {  	_ = 	snop;
	(pc) =	sbr.rel @p1 .LBB2_3-.Ltmp4, $3  }
0x2f: {  	_ = 	snop  }
0x30: {  	s18 =	sadd.s32 $0x80, s18;
	_ =	sdelay $0x1  }
0x31: {  	[spmem:s2] =	stream.indirect.scatter.add.f32 [tilespmem:s13], [sflag:$0x1], $0x10, s18, s14, $0xb8;
	[tilespmem:$0x5710] =	vst v63  }
.LBB2_4:
0x32: {  	p1 =	sgt.s32 s8, $0x1  }
.Ltmp5:
0x33: {  	_ = 	snop;
	(pc) =	sbr.rel @!p1 .LBB2_6-.Ltmp5, $3  }
0x34: {  	_ =	sdelay $0x1  }
0x35: {  	_ =	swait.ge [sflag:s15], $0x800  }
0x36: {  	s17 =	simm.s32 $0x1;
	[sflag:s15] =	ssyncset.done $0x0  }
.LBB2_5:
0x37: {  	s17 =	sadd.s32 $0x1, s17  }
0x38: {  	[sflag:s15] =	ssyncadd.s32 $0xFFFFF800;
	p1 =	slt.s32 s17, s8  }
.Ltmp6:
0x39: {  	(pc) =	sbr.rel @p1 .LBB2_5-.Ltmp6, $3  }
0x3a: {  	_ =	sdelay $0x1  }
0x3b: {  	_ =	swait.ge [sflag:s15], $0x800  }
0x3c: {  	[sflag:s15] =	ssyncset.done $0x0  }
.Ltmp7:
0x3d: {  	_ = 	snop;
	(pc) =	sbr.rel .LBB2_6-.Ltmp7, $1  }
0x3e: {  	_ =	sdelay $0x3  }
.LBB2_8:
0x3f: {  	_ =	sfence.sel $0x180000  }
0x40: {  	[bflag:$0x0] =	sbarrier.arrive $0xFFFF  }
0x41: {  	p0 =	sne.s32 s0, $0x0;
	_ =	strace $0x90000047  }
0x42: {  	s0 =	sadd.s32 @!p0 $0x100000, s1;
	[bflag:$0x2] =	sbarrier.arrive $0xFFFF  }
0x43: {  	[sflag:s0] =	ssyncadd.tile.s32 @!p0 $0x1;
	_ =	shalt  }
.Lfunc_end2:
_tile_overlayer_lowered:
.L_overlay_start_2:
0x44: {  	(tag) =	ssettag $0x2  }
0x45: {  	s0 =	rddreg [dreg:$0x0];
	s2 =	stileid.u32  }
0x46: {  	s1 =	rddreg [dreg:$0x1];
	p0 =	sne.s32 s2, $0x0  }
0x47: {  	s3 =	rddreg [dreg:$0x2];
	[bflag:$0x3] =	sbarrier.arrive $0xFFFF;
	s2 =	simm.s32 @!p0 $0x1C02  }
0x48: {  	[timem:s3], [sflag:s2] =	dma.local @!p0 [hbm:s0], s1  }
0x49: {  	s0 =	simm.s32 @!p0 $0x2  }
0x4a: {  	_ =	swait.ge @!p0 [sflag:s0], s1  }
0x4b: {  	s1 =	ssub.s32 @!p0 $0x0, s1;
	[sflag:s0] =	ssyncset.done @!p0 $0x0  }
0x4c: {  	[sflag:s0] =	ssyncadd.s32 @!p0 s1  }
0x4d: {  	[bflag:$0x3] =	sbarrier.arrive $0xFFFF  }
0x4e: {  	_ =	shalt  }

</sc_bundles>
